<compile_context>
chip_gen: v7x
topology: tpu7x:2x2x1
jax: 0.10.2.dev20260603
libtpu: 0.0.44.dev20260713+nightly
codegen_flags: <defaults>
</compile_context>

<pallas_src>
import jax
import jax.numpy as jnp
from jax import lax
from jax.experimental import pallas as pl
from jax.experimental.pallas import tpu as pltpu

_BN = 2048
_K = 6


def _fhs_body(surf_ref, emb_ref, o_ref):
    s = surf_ref[...]
    B, T = s.shape
    V = emb_ref.shape[0]
    oh = (s[:, :, None] == lax.broadcasted_iota(jnp.int32, (B, T, V), 2))
    counts = jnp.sum(oh.astype(jnp.float32), axis=1)
    o_ref[...] = jnp.dot(
        counts, emb_ref[...], preferred_element_type=jnp.float32) * (1.0 / T)


def _w_copy(w_hbm, wbuf, sems, blk, slot):
    return pltpu.make_async_copy(
        w_hbm.at[:, pl.ds(blk * _BN, _BN)], wbuf.at[slot], sems.at[slot])


def _proj_body(fhs_ref, b_ref, wtail_ref, w_hbm, o_ref, wbuf, sems):
    i = pl.program_id(0)
    nb = pl.num_programs(0)
    nfull = nb - 1

    o_ref[...] = fhs_ref[:, 0:1] + b_ref[...]


def kernel(surf, char_emb, root_codebook, suffix_W, suffix_b, suffix_codebook,
           ord_W, ord_b, ord_codebooks, out_W, out_b):
    B, T = surf.shape
    V, D = char_emb.shape
    _, N = out_W.shape
    nb = (N + _BN - 1) // _BN
    b2d = out_b.reshape(1, N)

    fhs = pl.pallas_call(
        _fhs_body,
        out_shape=jax.ShapeDtypeStruct((B, D), jnp.float32),
    )(surf, char_emb)

    out2d = pl.pallas_call(
        _proj_body,
        grid=(nb,),
        in_specs=[
            pl.BlockSpec((B, D), lambda i: (0, 0)),
            pl.BlockSpec((1, _BN), lambda i: (0, i)),
            pl.BlockSpec((D, _BN), lambda i: (0, nb - 1)),
            pl.BlockSpec(memory_space=pl.ANY),
        ],
        out_specs=pl.BlockSpec((B, _BN), lambda i: (0, i)),
        out_shape=jax.ShapeDtypeStruct((B, N), jnp.float32),
        scratch_shapes=[
            pltpu.VMEM((_K, D, _BN), jnp.float32),
            pltpu.SemaphoreType.DMA((_K,)),
        ],
        compiler_params=pltpu.CompilerParams(
            dimension_semantics=("arbitrary",)),
    )(fhs, b2d, out_W, out_W)
    return out2d[:, None, :]

# --- scband reference (transcript-rebuilt; emitter-appended) ---
"""Pipeline reference for scband-vqvae-probe-23742579212382 (READ-ONLY COPY).

The authoritative reference and input builder live on the scoring server;
editing this copy changes nothing except your own understanding.
"""

import jax, jax.numpy as jnp
import numpy as np

B, T = 128, 20
CHAR_VOCAB = 64
D = 512
ROOT_K, ROOT_D = 8192, 512
SUF_K, SUF_D = 1024, 32
N_ORD = 4
WORD_VOCAB = 100000


def setup_inputs(seed: int = 0) -> dict:
    key = jax.random.key(seed)
    ks = jax.random.split(key, 12)
    surf = jax.random.randint(ks[0], (B, T), 0, CHAR_VOCAB, dtype=jnp.int32)
    char_emb = jax.random.normal(ks[1], (CHAR_VOCAB, D), dtype=jnp.float32) * 0.02
    root_codebook = jax.random.normal(ks[2], (ROOT_K, ROOT_D), dtype=jnp.float32) * 0.02
    suffix_W = jax.random.normal(ks[3], (D, SUF_D), dtype=jnp.float32) * 0.02
    suffix_b = jnp.zeros((SUF_D,), dtype=jnp.float32)
    suffix_codebook = jax.random.normal(ks[4], (SUF_K, SUF_D), dtype=jnp.float32) * 0.02
    ord_W = jax.random.normal(ks[5], (N_ORD, D, SUF_D), dtype=jnp.float32) * 0.02
    ord_b = jnp.zeros((N_ORD, SUF_D), dtype=jnp.float32)
    ord_codebooks = jax.random.normal(ks[6], (N_ORD, SUF_K, SUF_D), dtype=jnp.float32) * 0.02
    out_W = jax.random.normal(ks[7], (D, WORD_VOCAB), dtype=jnp.float32) * 0.02
    out_b = jnp.zeros((WORD_VOCAB,), dtype=jnp.float32)
    return {
        'surf': surf,
        'char_emb': char_emb,
        'root_codebook': root_codebook,
        'suffix_W': suffix_W,
        'suffix_b': suffix_b,
        'suffix_codebook': suffix_codebook,
        'ord_W': ord_W,
        'ord_b': ord_b,
        'ord_codebooks': ord_codebooks,
        'out_W': out_W,
        'out_b': out_b,
    }


def _vq(x, codebook):
    # Standard vector quantizer: nearest-codeword lookup with straight-through estimator.
    shp = x.shape
    flat = x.reshape(-1, shp[-1])
    dists = (jnp.sum(flat * flat, axis=1, keepdims=True)
             + jnp.sum(codebook * codebook, axis=1)
             - 2.0 * flat @ codebook.T)
    inds = jnp.argmin(dists, axis=1)
    quantized = jnp.take(codebook, inds, axis=0).reshape(shp)
    commit_loss = jnp.mean((jax.lax.stop_gradient(quantized) - x) ** 2)
    embed_loss = jnp.mean((quantized - jax.lax.stop_gradient(x)) ** 2)
    vq_loss = embed_loss + 0.25 * commit_loss
    quantized_st = x + jax.lax.stop_gradient(quantized - x)
    return quantized_st, vq_loss, inds


def _encoder(surf, char_emb):
    # Pretrained LSTM encoder stand-in: char embedding lookup + mean pool -> fhs [B, 1, D]
    emb = jnp.take(char_emb, surf, axis=0)  # [B, T, D]
    fhs = jnp.mean(emb, axis=1, keepdims=True)  # [B, 1, D]
    fcs = fhs
    z = fhs
    return fhs, fcs, z


def reference(surf, char_emb, root_codebook, suffix_W, suffix_b, suffix_codebook,
              ord_W, ord_b, ord_codebooks, out_W, out_b):
    fhs, fcs, z = _encoder(surf, char_emb)
    vq_vectors = []
    vq_inds = []
    q_root, vq_loss, q_inds = _vq(fhs, root_codebook)
    vq_vectors.append(q_root)
    vq_inds.append(q_inds)
    _fhs = fhs @ suffix_W + suffix_b
    q_suf, vq_loss, q_inds = _vq(_fhs, suffix_codebook)
    vq_vectors.append(q_suf)
    vq_inds.append(q_inds)
    for j in range(ord_W.shape[0]):
        _fhs = fhs @ ord_W[j] + ord_b[j]
        q, vq_loss, q_inds = _vq(_fhs, ord_codebooks[j])
        vq_vectors.append(q)
        vq_inds.append(q_inds)
    suffix_vectors = vq_vectors[1:]
    vq_vectors = (vq_vectors[0], jnp.concatenate(suffix_vectors, axis=2))
    root_vector = vq_vectors[0]
    output_logits = fhs @ out_W + out_b  # [B, 1, WORD_VOCAB]
    return output_logits

if __name__ == "__main__":
    import jax
    _d = setup_inputs()
    print(jax.jit(kernel)(*tuple(_d.values())))

</pallas_src>

<mosaic_0001>
module attributes {stable_mosaic.version = 14 : i64} {
  func.func @_fhs_body(%arg0: memref<128x20xi32, #tpu.memory_space<vmem>>, %arg1: memref<64x512xf32, #tpu.memory_space<vmem>>, %arg2: memref<128x512xf32, #tpu.memory_space<vmem>>) attributes {dimension_semantics = [], scalar_prefetch = 0 : i64, scratch_operands = 0 : i64, tpu.core_type = #tpu.core_type<tc>} {
    %get3A = arith.constant 0 : index
    %get3A_0 = arith.constant 0 : index
    %get3A_1 = vector.load %arg0[%get3A, %get3A_0] : memref<128x20xi32, #tpu.memory_space<vmem>>, vector<128x20xi32>
    %broadcast_in_dim3A = vector.shape_cast %get3A_1 : vector<128x20xi32> to vector<128x20x1xi32>
    %iota3A = tpu.iota {dimensions = array<i32: 2>} : vector<128x20x64xi32>
    %eq3A = vector.broadcast %broadcast_in_dim3A : vector<128x20x1xi32> to vector<128x20x64xi32>
    %eq3A_2 = arith.cmpi eq, %eq3A, %iota3A : vector<128x20x64xi32>
    %convert_element_type3A = arith.extui %eq3A_2 : vector<128x20x64xi1> to vector<128x20x64xi32>
    %convert_element_type3A_3 = arith.sitofp %convert_element_type3A : vector<128x20x64xi32> to vector<128x20x64xf32>
    %reduce_sum3A = arith.constant dense<0.000000e+00> : vector<128x64xf32>
    %reduce_sum3A_4 = vector.multi_reduction <add>, %convert_element_type3A_3, %reduce_sum3A [1] : vector<128x20x64xf32> to vector<128x64xf32>
    %get3A_5 = arith.constant 0 : index
    %get3A_6 = arith.constant 0 : index
    %get3A_7 = vector.load %arg1[%get3A_5, %get3A_6] : memref<64x512xf32, #tpu.memory_space<vmem>>, vector<64x512xf32>
    %dot_general3A = arith.constant dense<0.000000e+00> : vector<128x512xf32>
    %dot_general3A_8 = tpu.matmul %reduce_sum3A_4, %get3A_7, %dot_general3A {dimension_numbers = #tpu.dot_dimension_numbers<[1], [0], [0], [1], [0, 0, 1, 1], [], []>, transpose_lhs_hint = false} : vector<128x64xf32>, vector<64x512xf32>, vector<128x512xf32> -> vector<128x512xf32>
    %mul3A = arith.constant 5.000000e-02 : f32
    %mul3A_9 = vector.broadcast %mul3A : f32 to vector<128x512xf32>
    %mul3A_10 = arith.mulf %dot_general3A_8, %mul3A_9 : vector<128x512xf32>
    %swap3A = arith.constant 0 : index
    %swap3A_11 = arith.constant 0 : index
    %swap3A_12 = vector.load %arg2[%swap3A, %swap3A_11] : memref<128x512xf32, #tpu.memory_space<vmem>>, vector<128x512xf32>
    tpu.vector_store %arg2[%swap3A, %swap3A_11], %mul3A_10 {strides = array<i32>} : memref<128x512xf32, #tpu.memory_space<vmem>>, vector<128x512xf32>,
    return
  }
}

module attributes {stable_mosaic.version = 14 : i64} {
  func.func @_proj_body(%arg0: i32, %arg1: memref<128x512xf32, #tpu.memory_space<vmem>>, %arg2: memref<1x2048xf32, #tpu.memory_space<vmem>>, %arg3: memref<512x2048xf32, #tpu.memory_space<vmem>>, %arg4: memref<512x100000xf32, #tpu.memory_space<any>>, %arg5: memref<128x2048xf32, #tpu.memory_space<vmem>>, %arg6: memref<6x512x2048xf32, #tpu.memory_space<vmem>>, %arg7: memref<6x!tpu.dma_semaphore, #tpu.memory_space<semaphore_mem>>) attributes {dimension_semantics = [#tpu.dimension_semantics<arbitrary>], iteration_bounds = array<i64: 49>, scalar_prefetch = 0 : i64, scratch_operands = 2 : i64, tpu.core_type = #tpu.core_type<tc>, window_params = [{pipeline_mode = #tpu.pipeline_mode<synchronous>, transform_indices = @transform_0, window_bounds = array<i64: 128, 512>}, {transform_indices = @transform_1, window_bounds = array<i64: 1, 2048>}, {transform_indices = @transform_2, window_bounds = array<i64: 512, 2048>}, {}, {transform_indices = @transform_4, window_bounds = array<i64: 128, 2048>}]} {
    %get3A = arith.constant 0 : index
    %get3A_0 = arith.constant 0 : index
    %get3A_1 = vector.load %arg1[%get3A, %get3A_0] : memref<128x512xf32, #tpu.memory_space<vmem>>, vector<128x1xf32>
    %get3A_2 = arith.constant 0 : index
    %get3A_3 = arith.constant 0 : index
    %get3A_4 = vector.load %arg2[%get3A_2, %get3A_3] : memref<1x2048xf32, #tpu.memory_space<vmem>>, vector<1x2048xf32>
    %add3A = vector.broadcast %get3A_1 : vector<128x1xf32> to vector<128x2048xf32>
    %add3A_5 = vector.broadcast %get3A_4 : vector<1x2048xf32> to vector<128x2048xf32>
    %add3A_6 = arith.addf %add3A, %add3A_5 : vector<128x2048xf32>
    %swap3A = arith.constant 0 : index
    %swap3A_7 = arith.constant 0 : index
    %swap3A_8 = vector.load %arg5[%swap3A, %swap3A_7] : memref<128x2048xf32, #tpu.memory_space<vmem>>, vector<128x2048xf32>
    tpu.vector_store %arg5[%swap3A, %swap3A_7], %add3A_6 {strides = array<i32>} : memref<128x2048xf32, #tpu.memory_space<vmem>>, vector<128x2048xf32>,
    return
  }
  func.func @transform_0(%arg0: i32) -> (i32, i32) {
    %c0_i32 = arith.constant 0 : i32
    %c0_i32_0 = arith.constant 0 : i32
    %c0_i32_1 = arith.constant 0 : i32
    return %c0_i32, %c0_i32_0 : i32, i32
  }
  func.func @transform_1(%arg0: i32) -> (i32, i32) {
    %c0_i32 = arith.constant 0 : i32
    %c0_i32_0 = arith.constant 0 : i32
    return %c0_i32, %arg0 : i32, i32
  }
  func.func @transform_2(%arg0: i32) -> (i32, i32) {
    %c0_i32 = arith.constant 0 : i32
    %c48_i32 = arith.constant 48 : i32
    %c0_i32_0 = arith.constant 0 : i32
    return %c0_i32, %c48_i32 : i32, i32
  }
  func.func @transform_4(%arg0: i32) -> (i32, i32) {
    %c0_i32 = arith.constant 0 : i32
    %c0_i32_0 = arith.constant 0 : i32
    return %c0_i32, %arg0 : i32, i32
  }
}

</mosaic_0001>

<sc_bundles>
// kernel: sparse-core-data-format-call.cloned.1.call-start
scs
called_computation_lowered:
.L_overlay_start_0:
0x0: {  	s2 =	sld [smem:$0x3FD9]  }
0x1: {  	s3 =	sld [smem:$0x3FFE];
	_ =	sdelay $0x1  }
0x2: {  	s1 =	srdreg.scid  }
0x3: {  	s0 =	sand.u32 $0x1, s1  }
0x4: {  	s18 =	sshll.u32 s0, $0xA;
	s2 =	sadd.s32 s3, s2  }
0x5: {  	s2 =	sadd.s32 s2, s18  }
0x6: {  	[smem:$0x3FC4] =	sst s2  }
0x7: {  	_ = 	snop  }
0x8: {  	s2 =	sld [smem:$0x3FD0];
	(tm) =	ssettm $0x1  }
0x9: {  	s19 =	sld [smem:$0x3FFB];
	_ =	sdelay $0x3  }
0xa: {  	_ =	strace s19  }
0xb: {  	s3 =	sld [smem:$0x3FFC];
	_ =	sdelay $0x3  }
0xc: {  	_ =	strace s3  }
0xd: {  	s3 =	sld [smem:$0x3FFD];
	_ =	sdelay $0x3  }
0xe: {  	_ =	strace s3  }
0xf: {  	_ =	strace $0x8FFFFFFF  }
0x10: {  	s20 =	sld [smem:$0x3FDB];
	_ =	sdelay $0x1  }
0x11: {  	s4 =	simm.s32 $_scs_section_size  }
0x12: {  	s5 =	simm.s32 $_size__tile_overlayer_lowered;
	s6 =	simm.s32 $_tile_overlayer_lowered  }
0x13: {  	s23 =	simm.s32 $0x1BFF;
	s22 =	sshll.u32 s6, $0x1;
	s3 =	sadd.s32 s4, s20  }
0x14: {  	s7 =	simm.s32 $0x0;
	s21 =	sshll.u32 s5, $0x1;
	s5 =	sadd.s32 s22, s3  }
0x15: {  	[timem:s7], [sflag:s23] =	dma.local [hbm:s5], s21  }
0x16: {  	_ =	swait.ge [sflag:s23], s21  }
0x17: {  	s4 =	ssub.s32 $0x0, s21;
	[sflag:s23] =	ssyncset.done $0x0  }
0x18: {  	[sflag:s23] =	ssyncadd.s32 s4;
	_ =	sdelay $0x1  }
0x19: {  	s24 =	simm.s32 $0x1B8B  }
0x1a: {  	_ =	swait.ge [sflag:s24], $0x1  }
0x1b: {  	[sflag:s24] =	ssyncset.done $0x0  }
0x1c: {  	s26 =	simm.s32 $0x1B8E;
	s25 =	sld [smem:$0x3FFE];
	[sflag:s24] =	ssyncadd.s32 $0xFFFFFFFF  }
0x1d: {  	s27 =	simm.s32 $execute0_lowered;
	[smem:$0x3FD2] =	sst s26  }
0x1e: {  	s5 =	sshll.u32 s27, $0x1;
	_ =	strace $0x80000046;
	[dreg:$0x1] =	wrdreg $0xFFFFFFFF  }
0x1f: {  	s28 =	simm.s32 $_size_execute0_lowered;
	s3 =	sadd.s32 s3, s5;
	[dreg:$0x0] =	wrdreg $0x0  }
0x20: {  	s5 =	sshll.u32 s28, $0x1;
	[dreg:$0x2] =	wrdreg s3  }
0x21: {  	[dreg:$0x3] =	wrdreg s5  }
0x22: {  	[dreg:$0x4] =	wrdreg $0xC0  }
0x23: {  	_ =	task [dreg:s7], $0x5FFFF  }
0x24: {  	[dreg:$0x1] =	wrdreg $0xFFFFFFFF  }
0x25: {  	[dreg:$0x0] =	wrdreg $0x60  }
0x26: {  	[dreg:$0x2] =	wrdreg s25  }
0x27: {  	[dreg:$0x3] =	wrdreg s2  }
0x28: {  	[dreg:$0x4] =	wrdreg $0x9  }
0x29: {  	_ =	task.clear_ibuf [dreg:s7], $0x5FFFF;
	_ =	strace $0x90000046  }
0x2a: {  	s29 =	simm.s32 $0x9;
	_ =	strace $0x80000048  }
0x2b: {  	_ =	swait.ge [sflag:s29], $0x1  }
0x2c: {  	[sflag:s29] =	ssyncadd.s32 $0xFFFFFFFF  }
0x2d: {  	_ =	strace $0x90000048  }
0x2e: {  	_ =	sfence  }
0x2f: {  	s30 =	sld [smem:$0x0];
	_ =	sdelay $0x2  }
0x30: {  	s31 =	sshll.u32 s1, $0xD;
	s1 =	sshrl.u32 s1, $0x2  }
0x31: {  	s3 =	sand.u32 $0x4000, s31;
	s1 =	sadd.s32 s1, s30  }
0x32: {  	s0 =	sor.u32 s3, s0;
	s1 =	sshll.u32 s1, $0x11  }
0x33: {  	s0 =	sor.u32 s1, s0  }
0x34: {  	s0 =	sadd.s32 $0x8F2B, s0  }
0x35: {  	[sflag:s0] =	ssyncadd.remote.s32 $0x1  }
0x36: {  	_ =	sfence.sel $0xFFFF  }
0x37: {  	[dreg:$0x0] =	wrdreg $0xFFFFFFFF;
	(pc) =	sbr.abs _section_cstart, $3  }
0x38: {  	[dreg:$0x1] =	wrdreg $0xFFFFFFFF  }
0x39: {  	_ =	task.clear_ibuf [dreg:s7], $0x2FFFF;
	_ =	strace $0x9FFFFFFF  }
0x3a: {  	(tm) =	ssettm $0x7FFFFFFF  }
0x3b: {  	_ =	shalt  }
tec
execute0_lowered:
.L_overlay_start_1:
0x0: {  	(tag) =	ssettag $0x1  }
0x1: {  	s4 =	rddreg [dreg:$0x0]  }
0x2: {  	s0 =	srdreg.scid;
	s2 =	rddreg [dreg:$0x1]  }
0x3: {  	s1 =	stileid.u32;
	s5 =	simm.s32 $0x1;
	s7 =	simm.s32 $0x2  }
0x4: {  	s14 =	simm.s32 $0x0;
	p0 =	por $0x0, $0x0;
	s0 =	sshll.u32 s0, $0x4  }
0x5: {  	s13 =	simm.s32 $0x0;
	s8 =	simm.s32 $0x0;
	s3 =	sand.u32 $0x10, s0  }
.Ltmp0:
0x6: {  	s9 =	simm.s32 $0x0;
	s3 =	sor.u32 s1, s3;
	(pc) =	sbr.rel .LBB1_1-.Ltmp0, $4  }
0x7: {  	s11 =	simm.s32 $0x0;
	s12 =	simm.s32 $0x0;
	s3 =	sshll.u32 s3, $0x7  }
0x8: {  	s0 =	rddreg [dreg:$0x2];
	_ =	strace $0x80000047;
	s6 =	ssub.s32 $0x18680, s3  }
0x9: {  	s4 =	sadd.s32 $0x61C600, s4;
	[sflag:s5] =	ssyncpa.u1 $0x0;
	s6 =	sshrl.u32 s6, $0xC  }
0xa: {  	[sflag:s7] =	ssyncpa.u1 $0x0;
	s10 =	smov.u32 s3;
	s7 =	sadd.s32 $0x2, s6  }
.LBB1_5:
0xb: {  	p1 =	slt.u32 s12, $0x2  }
0xc: {  	p2 =	sgt.s32 @!p1 s14, $0x18620  }
0xd: {  	s15 =	smov.u32 s14;
	s16 =	sshra.s32 @!p1 s14, $0x1F;
	p2 =	por !p2, p1  }
0xe: {  	s14 =	sand.u32 @!p1 s16, s14;
	s15 =	simm.s32 @p2 $0x18620  }
0xf: {  	s14 =	ssub.s32 @!p1 s15, s14;
	s15 =	ssub.s32 @!p1 $0x0, s13  }
0x10: {  	s17 =	smov.u32 s11;
	s16 =	sadd.s32 @!p1 $0xFFFE79E0, s14;
	s13 =	smin.u32 @!p1 s13, s15  }
0x11: {  	s14 =	ssub.s32 @!p1 $0x186A0, s14;
	p2 =	sgt.s32 @!p1 s16, $0x7F;
	p3 =	sgt.s32 @!p1 s13, $0x7F  }
0x12: {  	s13 =	ssub.s32 @!p1 $0x80, s13;
	p2 =	por !p2, p1;
	p3 =	por !p3, p1  }
0x13: {  	s15 =	sadd.s32 $0x1000, s10;
	s14 =	simm.s32 @!p2 $0x0;
	s13 =	simm.s32 @!p3 $0x0  }
0x14: {  	p2 =	sgt.s32 s15, $0x1869F;
	s13 =	smul.u32 @!p1 s13, s14;
	s14 =	sadd.s32 $0x80, s11  }
0x15: {  	s17 =	smov.u32 @p2 s14  }
0x16: {  	s15 =	smov.u32 @p2 s3;
	p2 =	sgt.s32 s17, $0x7F  }
0x17: {  	s17 =	simm.s32 @p2 $0x0;
	p2 =	sne.s32 s12, s7  }
.Ltmp1:
0x18: {  	p0 =	por !p0, !p0;
	s16 =	simm.s32 @!p1 $0x2;
	(pc) =	sbr.rel @!p2 .LBB1_6-.Ltmp1, $4  }
0x19: {  	s14 =	smov.u32 s8;
	s8 =	smov.u32 s10;
	s13 =	sand.u32 @!p1 $0x3FFFFFFF, s13  }
0x1a: {  	s10 =	smov.u32 s15;
	_ =	swait.ge @!p1 [sflag:s16], s13;
	s18 =	ssub.s32 @!p1 $0x0, s13  }
0x1b: {  	s13 =	smov.u32 s9;
	s12 =	sadd.s32 $0x1, s12;
	[sflag:s16] =	ssyncset.done @!p1 $0x0  }
0x1c: {  	s9 =	smov.u32 s11;
	s11 =	smov.u32 s17;
	[sflag:s16] =	ssyncadd.s32 @!p1 s18  }
.LBB1_1:
0x1d: {  	p1 =	sgt.u32 s12, s6  }
0x1e: {  	s15 =	sshrl.u32 @!p1 s11, $0x3  }
0x1f: {  	s16 =	sshll.u32 @!p1 s10, $0x3;
	s15 =	smul.u32 @!p1 $0xC3800, s15  }
0x20: {  	s17 =	sshll.u32 @!p1 s11, $0x7;
	s16 =	sand.u32 @!p1 $0xFFFFFC00, s16  }
0x21: {  	s15 =	sadd.s32 @!p1 s15, s16;
	s16 =	sand.u32 @!p1 $0x380, s17  }
0x22: {  	s17 =	sand.u32 @!p1 $0x7F, s10;
	s15 =	sor.u32 @!p1 s16, s15  }
0x23: {  	s16 =	sor.u32 @!p1 s17, s15  }
0x24: {  	s17 =	smulhi.u32 @!p1 $0xA79C7B17, s16;
	_ =	sdelay $0x1  }
0x25: {  	s15 =	smulhi.u32 @!p1 $0xA79C7B17, s15;
	s17 =	sshrl.u32 @!p1 s17, $0x10  }
0x26: {  	s17 =	smul.u32 @!p1 $0x18700, s17  }
0x27: {  	s18 =	sxor.u32 @!p1 $0xFFFFFFFF, s12;
	s15 =	sshrl.u32 @!p1 s15, $0x10  }
0x28: {  	s18 =	sshll.u32 @!p1 s18, $0xE;
	s15 =	sand.u32 @!p1 $0x7F, s15;
	s16 =	ssub.s32 @!p1 s16, s17  }
0x29: {  	s15 =	smul.u32 @!p1 $0x30E0, s15;
	s17 =	sshrl.u32 @!p1 s16, $0x3;
	s16 =	sand.u32 @!p1 $0x7, s16  }
0x2a: {  	s18 =	sand.u32 @!p1 $0x4000, s18;
	s17 =	sadd.s32 @!p1 s4, s17;
	s16 =	sshll.u32 @!p1 s16, $0x12  }
0x2b: {  	s15 =	sadd.s32 @!p1 s15, s17;
	s16 =	sor.u32 @!p1 $0x400, s16;
	s17 =	simm.s32 @!p1 $0xC3800  }
0x2c: {  	[tilespmem:s18], [sflag:$0x1] =	stream.strided.gather @!p1 [hbm4b:s15+s16], $0x4000, s17, s16, $0x38;
	[tilespmem:$0x10100] =	vst v63  }
0x2d: {  	p1 =	seq.s32 s12, $0x0  }
0x2e: {  	p2 =	sge.u32 @!p1 s12, s7  }
0x2f: {  	p1 =	por p1, p2  }
.Ltmp2:
0x30: {  	_ = 	snop;
	(pc) =	sbr.rel @p1 .LBB1_5-.Ltmp2, $1  }
0x31: {  	_ =	sdelay $0x3  }
0x32: {  	s15 =	simm.s32 $0x1  }
0x33: {  	_ =	swait.ge [sflag:s5], $0x4000;
	s15 =	simm.s32 @!p0 $0x0  }
0x34: {  	[sflag:s5] =	ssyncset.done $0x0;
	s16 =	sshll.u32 s15, $0xE  }
0x35: {  	[sflag:s5] =	ssyncadd.s32 $0xFFFFC000;
	s16 =	sor.u32 $0x40, s16  }
0x36: {  	s15 =	smul.u32 $0x10200, s15;
	v0 =	vld [tilespmem:s16+$0x30]  }
0x37: {  	v1 =	vld [tilespmem:s16+$0xFFFFFFD0]  }
0x38: {  	s15 =	sshrl.u32 s15, $0x2;
	v5 =	vld [tilespmem:s16+$0xFFFFFFE0]  }
0x39: {  	v6 =	vld [tilespmem:s16+$0xFFFFFFF0];
	s18 =	sor.u32 $0x8000, s15  }
0x3a: {  	s31 =	sand.u32 $0x1, s12;
	v4 =	vld [tilespmem:s16+$0x0];
	s17 =	sadd.s32 $0x0, s18  }
0x3b: {  	v3 =	vld [tilespmem:s16+$0x10];
	s15 =	smul.u32 $0x10200, s31;
	[tilespmem:s17+$0x3870 ss:$0x81] =	vst.msk $0xffff, v0  }
0x3c: {  	v2 =	vld [tilespmem:s16+$0x20];
	[tilespmem:s17+$0x810 ss:$0x81] =	vst.msk $0xffff, v1  }
0x3d: {  	s15 =	sshrl.u32 s15, $0x2;
	v0 =	vld [tilespmem:s16+$0xFFFFFFC0];
	[tilespmem:s17+$0x1020 ss:$0x81] =	vst.msk $0xffff, v5;
	s16 =	sadd.s32 $0x80, s16  }
0x3e: {  	s19 =	simm.s32 $0x4;
	s20 =	simm.s32 $0x8;
	s15 =	sor.u32 $0x8000, s15;
	[tilespmem:s17+$0x1830 ss:$0x81] =	vst.msk $0xffff, v6;
	v1 =	vld [tilespmem:s16+$0x30]  }
.LBB1_3:
0x3f: {  	p1 =	sne.s32 s20, $0x1FC;
	v5 =	vld [tilespmem:s16+$0xFFFFFFD0];
	[tilespmem:s17+$0x2040 ss:$0x81] =	vst.msk $0xffff, v4  }
0x40: {  	v6 =	vld [tilespmem:s16+$0xFFFFFFE0];
	[tilespmem:s17+$0x2850 ss:$0x81] =	vst.msk $0xffff, v3  }
0x41: {  	s21 =	sshra.s32 s19, $0x2;
	s19 =	smov.u32 s20;
	v7 =	vld [tilespmem:s16+$0xFFFFFFF0];
	[tilespmem:s17+$0x3060 ss:$0x81] =	vst.msk $0xffff, v2  }
.Ltmp3:
0x42: {  	v4 =	vld [tilespmem:s16+$0x0];
	[tilespmem:s17+$0x0 ss:$0x81] =	vst.msk $0xffff, v0;
	s17 =	sadd.s32 s21, s18;
	(pc) =	sbr.rel @p1 .LBB1_3-.Ltmp3, $4  }
0x43: {  	v3 =	vld [tilespmem:s16+$0x10];
	[tilespmem:s17+$0x3870 ss:$0x81] =	vst.msk $0xffff, v1  }
0x44: {  	[tilespmem:s17+$0x810 ss:$0x81] =	vst.msk $0xffff, v5;
	v2 =	vld [tilespmem:s16+$0x20]  }
0x45: {  	v0 =	vld [tilespmem:s16+$0xFFFFFFC0];
	[tilespmem:s17+$0x1020 ss:$0x81] =	vst.msk $0xffff, v6;
	s16 =	sadd.s32 $0x80, s16  }
0x46: {  	s20 =	sadd.s32 $0x4, s20;
	v1 =	vld [tilespmem:s16+$0x30];
	[tilespmem:s17+$0x1830 ss:$0x81] =	vst.msk $0xffff, v7  }
0x47: {  	s20 =	sshll.u32 s8, $0x7;
	s21 =	sshll.u32 s9, $0x3;
	s19 =	sshra.s32 s19, $0x2  }
0x48: {  	v5 =	vld [tilespmem:s16+$0xFFFFFFD0];
	[tilespmem:s17+$0x2040 ss:$0x81] =	vst.msk $0xffff, v4;
	p1 =	sgt.s32 s8, $0x18620;
	s22 =	sand.u32 $0xFFFFFC00, s20;
	s21 =	sand.u32 $0xFFFFFC00, s21  }
0x49: {  	v58 =	vld [tilespmem:s16+$0xFFFFFFE0];
	s24 =	sshra.s32 s8, $0x1F;
	s20 =	sand.u32 $0x380, s20;
	[tilespmem:s17+$0x2850 ss:$0x81] =	vst.msk $0xffff, v3;
	s21 =	sadd.s32 s21, s22  }
0x4a: {  	v59 =	vld [tilespmem:s16+$0xFFFFFFF0];
	s26 =	ssub.s32 $0x0, s9;
	s18 =	sadd.s32 s19, s18;
	[tilespmem:s17+$0x3060 ss:$0x81] =	vst.msk $0xffff, v2;
	s23 =	sor.u32 s20, s21  }
0x4b: {  	v60 =	vld [tilespmem:s16+$0x0];
	s28 =	smin.u32 s9, s26;
	s20 =	smov.u32 s8;
	[tilespmem:s17+$0x0 ss:$0x81] =	vst.msk $0xffff, v0;
	s19 =	sshrl.u32 s23, $0x7  }
0x4c: {  	v61 =	vld [tilespmem:s16+$0x10];
	s21 =	sand.u32 s24, s8;
	s20 =	simm.s32 @!p1 $0x18620;
	[tilespmem:s18+$0x3870 ss:$0x81] =	vst.msk $0xffff, v1;
	s25 =	smulhi.u32 $0x14F8B59, s19  }
0x4d: {  	v62 =	vld [tilespmem:s16+$0x20];
	s29 =	sshrl.u32 s9, $0x3;
	p2 =	sgt.s32 s28, $0x7F;
	s20 =	ssub.s32 s20, s21;
	[tilespmem:s18+$0x810 ss:$0x81] =	vst.msk $0xffff, v5  }
0x4e: {  	v63 =	vld [tilespmem:s16+$0xFFFFFFC0];
	[tilespmem:s18+$0x1020 ss:$0x81] =	vst.msk $0xffff, v58;
	s21 =	sadd.s32 $0xFFFE79E0, s20;
	s20 =	ssub.s32 $0x186A0, s20;
	s17 =	sshrl.u32 s25, $0x9  }
0x4f: {  	[tilespmem:s18+$0x1830 ss:$0x81] =	vst.msk $0xffff, v59;
	p1 =	sgt.s32 s21, $0x7F;
	s27 =	smul.u32 $0x186A0, s17;
	s17 =	ssub.s32 $0x80, s28  }
.Ltmp4:
0x50: {  	[tilespmem:s18+$0x2040 ss:$0x81] =	vst.msk $0xffff, v60;
	s20 =	simm.s32 @p1 $0x0;
	s17 =	simm.s32 @p2 $0x0;
	(pc) =	sbr.rel .LBB1_5-.Ltmp4, $4  }
0x51: {  	s30 =	sand.u32 $0xF, s29;
	[tilespmem:s18+$0x2850 ss:$0x81] =	vst.msk $0xffff, v61;
	s16 =	ssub.s32 s19, s27;
	s17 =	smul.u32 s17, s20  }
0x52: {  	[tilespmem:s18+$0x3060 ss:$0x81] =	vst.msk $0xffff, v62;
	s19 =	sadd.s32 s2, s30;
	s16 =	sshll.u32 s16, $0x4  }
0x53: {  	s31 =	sand.u32 $0x7, s9;
	[tilespmem:s18+$0x0 ss:$0x81] =	vst.msk $0xffff, v63;
	s17 =	sand.u32 $0x3FFFFFFF, s17;
	s16 =	sadd.s32 s16, s19  }
0x54: {  	[hbm4b:s16+s31] =	stream.linear.scatter [tilespmem:s15], [sflag:$0x2], s17, $0x20;
	[tilespmem:$0x10100] =	vst v63  }
.LBB1_6:
0x55: {  	_ =	sfence.sel $0x180000  }
0x56: {  	s2 =	simm.s32 $0x1;
	[bflag:$0x0] =	sbarrier.arrive $0xFFFF  }
0x57: {  	s31 =	simm.s32 $0x2;
	[sflag:s2] =	ssyncpa.u1 $0x1  }
0x58: {  	[sflag:s31] =	ssyncpa.u1 $0x1  }
0x59: {  	p0 =	sne.s32 s1, $0x0;
	_ =	strace $0x90000047  }
0x5a: {  	s0 =	sadd.s32 @!p0 $0x100000, s0;
	[bflag:$0x2] =	sbarrier.arrive $0xFFFF  }
0x5b: {  	[sflag:s0] =	ssyncadd.tile.s32 @!p0 $0x1;
	_ =	shalt  }
.Lfunc_end1:
_tile_overlayer_lowered:
.L_overlay_start_2:
0x5c: {  	(tag) =	ssettag $0x2  }
0x5d: {  	s0 =	rddreg [dreg:$0x0];
	s2 =	stileid.u32  }
0x5e: {  	s1 =	rddreg [dreg:$0x1];
	p0 =	sne.s32 s2, $0x0  }
0x5f: {  	s3 =	rddreg [dreg:$0x2];
	[bflag:$0x3] =	sbarrier.arrive $0xFFFF;
	s2 =	simm.s32 @!p0 $0x1C01  }
0x60: {  	[timem:s3], [sflag:s2] =	dma.local @!p0 [hbm:s0], s1  }
0x61: {  	s0 =	simm.s32 @!p0 $0x1  }
0x62: {  	_ =	swait.ge @!p0 [sflag:s0], s1  }
0x63: {  	s1 =	ssub.s32 @!p0 $0x0, s1;
	[sflag:s0] =	ssyncset.done @!p0 $0x0  }
0x64: {  	[sflag:s0] =	ssyncadd.s32 @!p0 s1  }
0x65: {  	[bflag:$0x3] =	sbarrier.arrive $0xFFFF  }
0x66: {  	_ =	shalt  }

</sc_bundles>
